<compile_context>
chip_gen: v7x
topology: tpu7x:2x2x1
jax: 0.10.2.dev20260603
libtpu: 0.0.44.dev20260713+nightly
codegen_flags: <defaults>
</compile_context>

<pallas_src>
import functools

import jax
import jax.numpy as jnp
from jax import lax
from jax.experimental import pallas as pl
from jax.experimental.pallas import tpu as pltpu
from jax.experimental.pallas import tpu_sc as plsc

_NUM_CORES = 2
_NUM_SUBCORES = 16
_LANES = 16


def _mask_body(num_envs, nreset, chunk, idx_hbm, out_hbm, idx_v, chunk_v):
    wid = lax.axis_index("s")
    base = wid * chunk
    pltpu.sync_copy(idx_hbm, idx_v)

    ones = jnp.ones((_LANES,), jnp.float32)
    unroll = 4

    def init(i, carry):
        for u in range(unroll):
            chunk_v[pl.ds((i * unroll + u) * _LANES, _LANES)] = ones
        return carry

    lax.fori_loop(0, chunk // (_LANES * unroll), init, 0)

    zeros = jnp.zeros((_LANES,), jnp.float32)

    def scat(i, carry):
        for u in range(unroll):
            v = idx_v[pl.ds((i * unroll + u) * _LANES, _LANES)]
            loc = v - base
            m = (loc >= 0) & (loc < chunk)
            locc = jnp.clip(loc, 0, chunk - 1)
            plsc.store_scatter(chunk_v, [locc], zeros, mask=m)
        return carry

    lax.fori_loop(0, nreset // (_LANES * unroll), scat, 0)

    pltpu.sync_copy(chunk_v, out_hbm.at[pl.ds(base, chunk)])


def _build_mask(env_indices, num_envs):
    nreset = env_indices.shape[0]
    nworkers = _NUM_SUBCORES
    chunk = num_envs // nworkers
    mesh = plsc.VectorSubcoreMesh(core_axis_name="c", subcore_axis_name="s", num_cores=1)
    kern = pl.kernel(
        functools.partial(_mask_body, num_envs, nreset, chunk),
        out_type=jax.ShapeDtypeStruct((num_envs,), jnp.float32),
        mesh=mesh,
        scratch_types=[
            pltpu.VMEM((nreset,), jnp.int32),
            pltpu.VMEM((chunk,), jnp.float32),
        ],
        compiler_params=pltpu.CompilerParams(needs_layout_passes=False),
    )
    return kern(env_indices)


def _zero_body(nb_per_layer, block_rows, mask_ref, h_ref, c_ref, oh_ref, oc_ref):
    i = pl.program_id(0)
    base = (i % nb_per_layer) * block_rows
    keep = mask_ref[pl.ds(base, block_rows), :] > 0.5
    oh_ref[...] = jnp.where(keep, h_ref[...], 0.0)
    oc_ref[...] = jnp.where(keep, c_ref[...], 0.0)


def kernel(h, c, env_indices):
    num_layers, num_envs, hidden = h.shape
    mask = _build_mask(env_indices.astype(jnp.int32), num_envs)
    block_rows = 2048
    nb_per_layer = num_envs // block_rows
    h2 = h.reshape(num_layers * num_envs, hidden)
    c2 = c.reshape(num_layers * num_envs, hidden)
    data_spec = pl.BlockSpec((block_rows, hidden), lambda i: (i, 0))
    mask_spec = pl.BlockSpec((num_envs, 1), lambda i: (0, 0))
    oh, oc = pl.pallas_call(
        functools.partial(_zero_body, nb_per_layer, block_rows),
        grid=(h2.shape[0] // block_rows,),
        in_specs=[mask_spec, data_spec, data_spec],
        out_specs=[data_spec, data_spec],
        out_shape=[
            jax.ShapeDtypeStruct(h2.shape, h2.dtype),
            jax.ShapeDtypeStruct(c2.shape, c2.dtype),
        ],
    )(mask.reshape(num_envs, 1), h2, c2)
    return (oh.reshape(h.shape), oc.reshape(c.shape))

# --- scband reference (transcript-rebuilt; emitter-appended) ---
"""Pipeline reference for scband-hidden-state-manager-26585847562401 (READ-ONLY COPY).

The authoritative reference and input builder live on the scoring server;
editing this copy changes nothing except your own understanding.
"""

import jax, jax.numpy as jnp
import numpy as np

NUM_LAYERS = 2
NUM_ENVS = 16384
HIDDEN = 512
NRESET = 4096


def setup_inputs(seed: int = 0) -> dict:
    key = jax.random.key(seed)
    k1, k2, k3 = jax.random.split(key, 3)
    h = jax.random.normal(k1, (NUM_LAYERS, NUM_ENVS, HIDDEN), dtype=jnp.float32)
    c = jax.random.normal(k2, (NUM_LAYERS, NUM_ENVS, HIDDEN), dtype=jnp.float32)
    env_indices = jax.random.randint(k3, (NRESET,), 0, NUM_ENVS, dtype=jnp.int64 if jax.config.read('jax_enable_x64') else jnp.int32)
    return {"h": h, "c": c, "env_indices": env_indices}


def reference(h, c, env_indices):
    # HiddenStateManager.reset(env_indices) for rnn_type='lstm':
    #   self._h[:, env_indices] = 0.0 ; self._c[:, env_indices] = 0.0
    # Functional scatter-overwrite of zeros into the selected env rows.
    zeros = jnp.zeros((h.shape[0], env_indices.shape[0], h.shape[2]), dtype=h.dtype)
    new_h = h.at[:, env_indices, :].set(zeros)
    new_c = c.at[:, env_indices, :].set(zeros)
    # get() returns the (h, c) tuple after the in-place reset
    return (new_h, new_c)

if __name__ == "__main__":
    import jax
    _d = setup_inputs()
    print(jax.jit(kernel)(*tuple(_d.values())))

</pallas_src>

<mosaic_0001>
#map = affine_map<(d0, d1) -> (0)>
module attributes {stable_mosaic.version = 14 : i64} {
  func.func @_mask_body(%arg0: i32, %arg1: i32, %arg2: memref<4096xi32, #tpu.memory_space<hbm>>, %arg3: memref<16384xf32, #tpu.memory_space<hbm>>, %arg4: memref<4096xi32, #tpu.memory_space<vmem>>, %arg5: memref<1024xf32, #tpu.memory_space<vmem>>) attributes {dimension_semantics = [#tpu.dimension_semantics<core_parallel>, #tpu.dimension_semantics<subcore_parallel>], iteration_bounds = array<i64: 1, 16>, scalar_prefetch = 0 : i64, scratch_operands = 2 : i64, tpu.core_type = #tpu.core_type<sc_vector_subcore>, window_params = [{transform_indices = #map}, {transform_indices = #map}]} {
    %mul3A = arith.constant 1024 : i32
    %mul3A_0 = arith.muli %arg1, %mul3A : i32
    "tpu.region"() ({
      %run_scoped3A = tpu.sem_alloc : memref<!tpu.dma_semaphore, #tpu.memory_space<semaphore_mem>>
      tpu.enqueue_dma source(%arg2 : memref<4096xi32, #tpu.memory_space<hbm>>) target(%arg4 : memref<4096xi32, #tpu.memory_space<vmem>>) target_semaphore(%run_scoped3A : memref<!tpu.dma_semaphore, #tpu.memory_space<semaphore_mem>>)
      tpu.wait_dma2 semaphore(%run_scoped3A : memref<!tpu.dma_semaphore, #tpu.memory_space<semaphore_mem>>) src(%arg2 : memref<4096xi32, #tpu.memory_space<hbm>>) dst(%arg4 : memref<4096xi32, #tpu.memory_space<vmem>>)
      tpu.yield
    }) : () -> ()
    %broadcast_in_dim3A = arith.constant 1.000000e+00 : f32
    %broadcast_in_dim3A_1 = vector.broadcast %broadcast_in_dim3A : f32 to vector<16xf32>
    %scan3A = arith.constant 0 : i32
    %scan3A_2 = arith.constant 0 : i32
    %scan3A_3 = arith.constant 16 : i32
    %scan3A_4 = arith.addi %scan3A_2, %scan3A_3 : i32
    %scan3A_5 = arith.constant 1 : i32
    scf.for %scan3A_15 = %scan3A_2 to %scan3A_4 step %scan3A_5  : i32 {
      %mul3A_16 = arith.constant 4 : i32
      %mul3A_17 = arith.muli %scan3A_15, %mul3A_16 : i32
      %add3A = arith.constant 0 : i32
      %add3A_18 = arith.addi %mul3A_17, %add3A : i32
      %mul3A_19 = arith.constant 16 : i32
      %mul3A_20 = arith.muli %add3A_18, %mul3A_19 : i32
      %swap3A = arith.index_cast %mul3A_20 : i32 to index
      %swap3A_21 = tpu.vector_load %arg5[%swap3A] {strides = array<i32>} : memref<1024xf32, #tpu.memory_space<vmem>>, vector<16xf32>,
      tpu.vector_store %arg5[%swap3A], %broadcast_in_dim3A_1 {strides = array<i32>} : memref<1024xf32, #tpu.memory_space<vmem>>, vector<16xf32>,
      %mul3A_22 = arith.constant 4 : i32
      %mul3A_23 = arith.muli %scan3A_15, %mul3A_22 : i32
      %add3A_24 = arith.constant 1 : i32
      %add3A_25 = arith.addi %mul3A_23, %add3A_24 : i32
      %mul3A_26 = arith.constant 16 : i32
      %mul3A_27 = arith.muli %add3A_25, %mul3A_26 : i32
      %swap3A_28 = arith.index_cast %mul3A_27 : i32 to index
      %swap3A_29 = tpu.vector_load %arg5[%swap3A_28] {strides = array<i32>} : memref<1024xf32, #tpu.memory_space<vmem>>, vector<16xf32>,
      tpu.vector_store %arg5[%swap3A_28], %broadcast_in_dim3A_1 {strides = array<i32>} : memref<1024xf32, #tpu.memory_space<vmem>>, vector<16xf32>,
      %mul3A_30 = arith.constant 4 : i32
      %mul3A_31 = arith.muli %scan3A_15, %mul3A_30 : i32
      %add3A_32 = arith.constant 2 : i32
      %add3A_33 = arith.addi %mul3A_31, %add3A_32 : i32
      %mul3A_34 = arith.constant 16 : i32
      %mul3A_35 = arith.muli %add3A_33, %mul3A_34 : i32
      %swap3A_36 = arith.index_cast %mul3A_35 : i32 to index
      %swap3A_37 = tpu.vector_load %arg5[%swap3A_36] {strides = array<i32>} : memref<1024xf32, #tpu.memory_space<vmem>>, vector<16xf32>,
      tpu.vector_store %arg5[%swap3A_36], %broadcast_in_dim3A_1 {strides = array<i32>} : memref<1024xf32, #tpu.memory_space<vmem>>, vector<16xf32>,
      %mul3A_38 = arith.constant 4 : i32
      %mul3A_39 = arith.muli %scan3A_15, %mul3A_38 : i32
      %add3A_40 = arith.constant 3 : i32
      %add3A_41 = arith.addi %mul3A_39, %add3A_40 : i32
      %mul3A_42 = arith.constant 16 : i32
      %mul3A_43 = arith.muli %add3A_41, %mul3A_42 : i32
      %swap3A_44 = arith.index_cast %mul3A_43 : i32 to index
      %swap3A_45 = tpu.vector_load %arg5[%swap3A_44] {strides = array<i32>} : memref<1024xf32, #tpu.memory_space<vmem>>, vector<16xf32>,
      tpu.vector_store %arg5[%swap3A_44], %broadcast_in_dim3A_1 {strides = array<i32>} : memref<1024xf32, #tpu.memory_space<vmem>>, vector<16xf32>,
    }
    %scan3A_6 = arith.constant 16 : i32
    %broadcast_in_dim3A_7 = arith.constant 0.000000e+00 : f32
    %broadcast_in_dim3A_8 = vector.broadcast %broadcast_in_dim3A_7 : f32 to vector<16xf32>
    %scan3A_9 = arith.constant 0 : i32
    %scan3A_10 = arith.constant 0 : i32
    %scan3A_11 = arith.constant 64 : i32
    %scan3A_12 = arith.addi %scan3A_10, %scan3A_11 : i32
    %scan3A_13 = arith.constant 1 : i32
    scf.for %scan3A_15 = %scan3A_10 to %scan3A_12 step %scan3A_13  : i32 {
      %mul3A_16 = arith.constant 4 : i32
      %mul3A_17 = arith.muli %scan3A_15, %mul3A_16 : i32
      %add3A = arith.constant 0 : i32
      %add3A_18 = arith.addi %mul3A_17, %add3A : i32
      %mul3A_19 = arith.constant 16 : i32
      %mul3A_20 = arith.muli %add3A_18, %mul3A_19 : i32
      %get3A = arith.index_cast %mul3A_20 : i32 to index
      %get3A_21 = tpu.vector_load %arg4[%get3A] {strides = array<i32>} : memref<4096xi32, #tpu.memory_space<vmem>>, vector<16xi32>,
      %sub3A = vector.broadcast %mul3A_0 : i32 to vector<16xi32>
      %sub3A_22 = arith.subi %get3A_21, %sub3A : vector<16xi32>
      %ge3A = arith.constant 0 : i32
      %ge3A_23 = vector.broadcast %ge3A : i32 to vector<16xi32>
      %ge3A_24 = arith.cmpi sge, %sub3A_22, %ge3A_23 : vector<16xi32>
      %lt3A = arith.constant 1024 : i32
      %lt3A_25 = vector.broadcast %lt3A : i32 to vector<16xi32>
      %lt3A_26 = arith.cmpi slt, %sub3A_22, %lt3A_25 : vector<16xi32>
      %and3A = arith.andi %ge3A_24, %lt3A_26 : vector<16xi1>
      %jit3A = arith.constant 0 : i32
      %jit3A_27 = arith.constant 1023 : i32
      %max3A = vector.broadcast %jit3A : i32 to vector<16xi32>
      %max3A_28 = arith.maxsi %max3A, %sub3A_22 : vector<16xi32>
      %min3A = vector.broadcast %jit3A_27 : i32 to vector<16xi32>
      %min3A_29 = arith.minsi %min3A, %max3A_28 : vector<16xi32>
      tpu.vector_store_idx %arg5[%min3A_29], %broadcast_in_dim3A_8 masked %and3A : memref<1024xf32, #tpu.memory_space<vmem>>[vector<16xi32>], vector<16xf32>, vector<16xi1>
      %mul3A_30 = arith.constant 4 : i32
      %mul3A_31 = arith.muli %scan3A_15, %mul3A_30 : i32
      %add3A_32 = arith.constant 1 : i32
      %add3A_33 = arith.addi %mul3A_31, %add3A_32 : i32
      %mul3A_34 = arith.constant 16 : i32
      %mul3A_35 = arith.muli %add3A_33, %mul3A_34 : i32
      %get3A_36 = arith.index_cast %mul3A_35 : i32 to index
      %get3A_37 = tpu.vector_load %arg4[%get3A_36] {strides = array<i32>} : memref<4096xi32, #tpu.memory_space<vmem>>, vector<16xi32>,
      %sub3A_38 = vector.broadcast %mul3A_0 : i32 to vector<16xi32>
      %sub3A_39 = arith.subi %get3A_37, %sub3A_38 : vector<16xi32>
      %ge3A_40 = arith.constant 0 : i32
      %ge3A_41 = vector.broadcast %ge3A_40 : i32 to vector<16xi32>
      %ge3A_42 = arith.cmpi sge, %sub3A_39, %ge3A_41 : vector<16xi32>
      %lt3A_43 = arith.constant 1024 : i32
      %lt3A_44 = vector.broadcast %lt3A_43 : i32 to vector<16xi32>
      %lt3A_45 = arith.cmpi slt, %sub3A_39, %lt3A_44 : vector<16xi32>
      %and3A_46 = arith.andi %ge3A_42, %lt3A_45 : vector<16xi1>
      %jit3A_47 = arith.constant 0 : i32
      %jit3A_48 = arith.constant 1023 : i32
      %max3A_49 = vector.broadcast %jit3A_47 : i32 to vector<16xi32>
      %max3A_50 = arith.maxsi %max3A_49, %sub3A_39 : vector<16xi32>
      %min3A_51 = vector.broadcast %jit3A_48 : i32 to vector<16xi32>
      %min3A_52 = arith.minsi %min3A_51, %max3A_50 : vector<16xi32>
      tpu.vector_store_idx %arg5[%min3A_52], %broadcast_in_dim3A_8 masked %and3A_46 : memref<1024xf32, #tpu.memory_space<vmem>>[vector<16xi32>], vector<16xf32>, vector<16xi1>
      %mul3A_53 = arith.constant 4 : i32
      %mul3A_54 = arith.muli %scan3A_15, %mul3A_53 : i32
      %add3A_55 = arith.constant 2 : i32
      %add3A_56 = arith.addi %mul3A_54, %add3A_55 : i32
      %mul3A_57 = arith.constant 16 : i32
      %mul3A_58 = arith.muli %add3A_56, %mul3A_57 : i32
      %get3A_59 = arith.index_cast %mul3A_58 : i32 to index
      %get3A_60 = tpu.vector_load %arg4[%get3A_59] {strides = array<i32>} : memref<4096xi32, #tpu.memory_space<vmem>>, vector<16xi32>,
      %sub3A_61 = vector.broadcast %mul3A_0 : i32 to vector<16xi32>
      %sub3A_62 = arith.subi %get3A_60, %sub3A_61 : vector<16xi32>
      %ge3A_63 = arith.constant 0 : i32
      %ge3A_64 = vector.broadcast %ge3A_63 : i32 to vector<16xi32>
      %ge3A_65 = arith.cmpi sge, %sub3A_62, %ge3A_64 : vector<16xi32>
      %lt3A_66 = arith.constant 1024 : i32
      %lt3A_67 = vector.broadcast %lt3A_66 : i32 to vector<16xi32>
      %lt3A_68 = arith.cmpi slt, %sub3A_62, %lt3A_67 : vector<16xi32>
      %and3A_69 = arith.andi %ge3A_65, %lt3A_68 : vector<16xi1>
      %jit3A_70 = arith.constant 0 : i32
      %jit3A_71 = arith.constant 1023 : i32
      %max3A_72 = vector.broadcast %jit3A_70 : i32 to vector<16xi32>
      %max3A_73 = arith.maxsi %max3A_72, %sub3A_62 : vector<16xi32>
      %min3A_74 = vector.broadcast %jit3A_71 : i32 to vector<16xi32>
      %min3A_75 = arith.minsi %min3A_74, %max3A_73 : vector<16xi32>
      tpu.vector_store_idx %arg5[%min3A_75], %broadcast_in_dim3A_8 masked %and3A_69 : memref<1024xf32, #tpu.memory_space<vmem>>[vector<16xi32>], vector<16xf32>, vector<16xi1>
      %mul3A_76 = arith.constant 4 : i32
      %mul3A_77 = arith.muli %scan3A_15, %mul3A_76 : i32
      %add3A_78 = arith.constant 3 : i32
      %add3A_79 = arith.addi %mul3A_77, %add3A_78 : i32
      %mul3A_80 = arith.constant 16 : i32
      %mul3A_81 = arith.muli %add3A_79, %mul3A_80 : i32
      %get3A_82 = arith.index_cast %mul3A_81 : i32 to index
      %get3A_83 = tpu.vector_load %arg4[%get3A_82] {strides = array<i32>} : memref<4096xi32, #tpu.memory_space<vmem>>, vector<16xi32>,
      %sub3A_84 = vector.broadcast %mul3A_0 : i32 to vector<16xi32>
      %sub3A_85 = arith.subi %get3A_83, %sub3A_84 : vector<16xi32>
      %ge3A_86 = arith.constant 0 : i32
      %ge3A_87 = vector.broadcast %ge3A_86 : i32 to vector<16xi32>
      %ge3A_88 = arith.cmpi sge, %sub3A_85, %ge3A_87 : vector<16xi32>
      %lt3A_89 = arith.constant 1024 : i32
      %lt3A_90 = vector.broadcast %lt3A_89 : i32 to vector<16xi32>
      %lt3A_91 = arith.cmpi slt, %sub3A_85, %lt3A_90 : vector<16xi32>
      %and3A_92 = arith.andi %ge3A_88, %lt3A_91 : vector<16xi1>
      %jit3A_93 = arith.constant 0 : i32
      %jit3A_94 = arith.constant 1023 : i32
      %max3A_95 = vector.broadcast %jit3A_93 : i32 to vector<16xi32>
      %max3A_96 = arith.maxsi %max3A_95, %sub3A_85 : vector<16xi32>
      %min3A_97 = vector.broadcast %jit3A_94 : i32 to vector<16xi32>
      %min3A_98 = arith.minsi %min3A_97, %max3A_96 : vector<16xi32>
      tpu.vector_store_idx %arg5[%min3A_98], %broadcast_in_dim3A_8 masked %and3A_92 : memref<1024xf32, #tpu.memory_space<vmem>>[vector<16xi32>], vector<16xf32>, vector<16xi1>
    }
    %scan3A_14 = arith.constant 64 : i32
    "tpu.region"() ({
      %run_scoped3A = tpu.sem_alloc : memref<!tpu.dma_semaphore, #tpu.memory_space<semaphore_mem>>
      %dma_start3A = tpu.memref_slice %arg3[%mul3A_0] : memref<16384xf32, #tpu.memory_space<hbm>> -> memref<1024xf32, #tpu.memory_space<hbm>>
      %dma_start3A_15 = tpu.memref_slice %arg3[%mul3A_0] : memref<16384xf32, #tpu.memory_space<hbm>> -> memref<1024xf32, #tpu.memory_space<hbm>>
      tpu.enqueue_dma source(%arg5 : memref<1024xf32, #tpu.memory_space<vmem>>) target(%dma_start3A_15 : memref<1024xf32, #tpu.memory_space<hbm>>) target_semaphore(%run_scoped3A : memref<!tpu.dma_semaphore, #tpu.memory_space<semaphore_mem>>)
      %dma_wait3A = tpu.memref_slice %arg3[%mul3A_0] : memref<16384xf32, #tpu.memory_space<hbm>> -> memref<1024xf32, #tpu.memory_space<hbm>>
      %dma_wait3A_16 = tpu.memref_slice %arg3[%mul3A_0] : memref<16384xf32, #tpu.memory_space<hbm>> -> memref<1024xf32, #tpu.memory_space<hbm>>
      tpu.wait_dma2 semaphore(%run_scoped3A : memref<!tpu.dma_semaphore, #tpu.memory_space<semaphore_mem>>) src(%arg5 : memref<1024xf32, #tpu.memory_space<vmem>>) dst(%dma_wait3A_16 : memref<1024xf32, #tpu.memory_space<hbm>>)
      tpu.yield
    }) : () -> ()
    return
  }
}

module attributes {stable_mosaic.version = 14 : i64} {
  func.func @_zero_body(%arg0: i32, %arg1: memref<16384x1xf32, #tpu.memory_space<vmem>>, %arg2: memref<2048x512xf32, #tpu.memory_space<vmem>>, %arg3: memref<2048x512xf32, #tpu.memory_space<vmem>>, %arg4: memref<2048x512xf32, #tpu.memory_space<vmem>>, %arg5: memref<2048x512xf32, #tpu.memory_space<vmem>>) attributes {dimension_semantics = [#tpu.dimension_semantics<arbitrary>], iteration_bounds = array<i64: 16>, scalar_prefetch = 0 : i64, scratch_operands = 0 : i64, tpu.core_type = #tpu.core_type<tc>, window_params = [{pipeline_mode = #tpu.pipeline_mode<synchronous>, transform_indices = @transform_0, window_bounds = array<i64: 16384, 1>}, {transform_indices = @transform_1, window_bounds = array<i64: 2048, 512>}, {transform_indices = @transform_2, window_bounds = array<i64: 2048, 512>}, {transform_indices = @transform_3, window_bounds = array<i64: 2048, 512>}, {transform_indices = @transform_4, window_bounds = array<i64: 2048, 512>}]} {
    %jit3A = arith.constant 8 : i32
    %eq3A = arith.constant 0 : i32
    %eq3A_0 = arith.cmpi eq, %jit3A, %eq3A : i32
    %jit3A_1 = arith.constant 1 : i32
    %select_n3A = arith.select %eq3A_0, %jit3A_1, %jit3A : i32
    %rem3A = arith.remsi %arg0, %select_n3A : i32
    %ne3A = arith.constant 0 : i32
    %ne3A_2 = arith.cmpi ne, %rem3A, %ne3A : i32
    %lt3A = arith.constant 0 : i32
    %lt3A_3 = arith.cmpi slt, %rem3A, %lt3A : i32
    %lt3A_4 = arith.constant 0 : i32
    %lt3A_5 = arith.cmpi slt, %select_n3A, %lt3A_4 : i32
    %ne3A_6 = arith.xori %lt3A_3, %lt3A_5 : i1
    %and3A = arith.andi %ne3A_6, %ne3A_2 : i1
    %add3A = arith.addi %rem3A, %select_n3A : i32
    %select_n3A_7 = arith.select %and3A, %add3A, %rem3A : i32
    %mul3A = arith.constant 2048 : i32
    %mul3A_8 = arith.muli %select_n3A_7, %mul3A : i32
    %get3A = arith.index_cast %mul3A_8 : i32 to index
    %get3A_9 = arith.constant 0 : index
    %get3A_10 = vector.load %arg1[%get3A, %get3A_9] : memref<16384x1xf32, #tpu.memory_space<vmem>>, vector<2048x1xf32>
    %gt3A = arith.constant 5.000000e-01 : f32
    %gt3A_11 = vector.broadcast %gt3A : f32 to vector<2048x1xf32>
    %gt3A_12 = arith.cmpf ogt, %get3A_10, %gt3A_11 : vector<2048x1xf32>
    %get3A_13 = arith.constant 0 : index
    %get3A_14 = arith.constant 0 : index
    %get3A_15 = vector.load %arg2[%get3A_13, %get3A_14] : memref<2048x512xf32, #tpu.memory_space<vmem>>, vector<2048x512xf32>
    %jit3A_16 = arith.constant 0.000000e+00 : f32
    %broadcast_in_dim3A = vector.shape_cast %gt3A_12 : vector<2048x1xi1> to vector<2048x1xi1>
    %broadcast_in_dim3A_17 = vector.broadcast %broadcast_in_dim3A : vector<2048x1xi1> to vector<2048x512xi1>
    %broadcast_in_dim3A_18 = vector.broadcast %jit3A_16 : f32 to vector<2048x512xf32>
    %select_n3A_19 = arith.select %broadcast_in_dim3A_17, %get3A_15, %broadcast_in_dim3A_18 : vector<2048x512xi1>, vector<2048x512xf32>
    %swap3A = arith.constant 0 : index
    %swap3A_20 = arith.constant 0 : index
    %swap3A_21 = vector.load %arg4[%swap3A, %swap3A_20] : memref<2048x512xf32, #tpu.memory_space<vmem>>, vector<2048x512xf32>
    tpu.vector_store %arg4[%swap3A, %swap3A_20], %select_n3A_19 {strides = array<i32>} : memref<2048x512xf32, #tpu.memory_space<vmem>>, vector<2048x512xf32>,
    %get3A_22 = arith.constant 0 : index
    %get3A_23 = arith.constant 0 : index
    %get3A_24 = vector.load %arg3[%get3A_22, %get3A_23] : memref<2048x512xf32, #tpu.memory_space<vmem>>, vector<2048x512xf32>
    %jit3A_25 = arith.constant 0.000000e+00 : f32
    %broadcast_in_dim3A_26 = vector.shape_cast %gt3A_12 : vector<2048x1xi1> to vector<2048x1xi1>
    %broadcast_in_dim3A_27 = vector.broadcast %broadcast_in_dim3A_26 : vector<2048x1xi1> to vector<2048x512xi1>
    %broadcast_in_dim3A_28 = vector.broadcast %jit3A_25 : f32 to vector<2048x512xf32>
    %select_n3A_29 = arith.select %broadcast_in_dim3A_27, %get3A_24, %broadcast_in_dim3A_28 : vector<2048x512xi1>, vector<2048x512xf32>
    %swap3A_30 = arith.constant 0 : index
    %swap3A_31 = arith.constant 0 : index
    %swap3A_32 = vector.load %arg5[%swap3A_30, %swap3A_31] : memref<2048x512xf32, #tpu.memory_space<vmem>>, vector<2048x512xf32>
    tpu.vector_store %arg5[%swap3A_30, %swap3A_31], %select_n3A_29 {strides = array<i32>} : memref<2048x512xf32, #tpu.memory_space<vmem>>, vector<2048x512xf32>,
    return
  }
  func.func @transform_0(%arg0: i32) -> (i32, i32) {
    %c0_i32 = arith.constant 0 : i32
    %c0_i32_0 = arith.constant 0 : i32
    %c0_i32_1 = arith.constant 0 : i32
    return %c0_i32, %c0_i32_0 : i32, i32
  }
  func.func @transform_1(%arg0: i32) -> (i32, i32) {
    %c0_i32 = arith.constant 0 : i32
    %c0_i32_0 = arith.constant 0 : i32
    return %arg0, %c0_i32 : i32, i32
  }
  func.func @transform_2(%arg0: i32) -> (i32, i32) {
    %c0_i32 = arith.constant 0 : i32
    %c0_i32_0 = arith.constant 0 : i32
    return %arg0, %c0_i32 : i32, i32
  }
  func.func @transform_3(%arg0: i32) -> (i32, i32) {
    %c0_i32 = arith.constant 0 : i32
    %c0_i32_0 = arith.constant 0 : i32
    return %arg0, %c0_i32 : i32, i32
  }
  func.func @transform_4(%arg0: i32) -> (i32, i32) {
    %c0_i32 = arith.constant 0 : i32
    %c0_i32_0 = arith.constant 0 : i32
    return %arg0, %c0_i32 : i32, i32
  }
}

</mosaic_0001>

<sc_bundles>
// kernel: kernel.4.cloned.1.call-start
scs
__scs_entry_jumppad:
0x0: {  	(pc) =	sbr.rel $0x88, $3  }
0x1: {  	(tag) =	ssettag $0x0;
	lr =	simm.s32 $0x1  }
0x2: {  	[smem:$0x3F9E] =	sst lr;
	_ =	strace $0xD0000000  }
0x3: {  	_ = 	snop  }
0x4: {  	_ = 	snop  }
0x5: {  	_ = 	snop  }
0x6: {  	_ = 	snop  }
0x7: {  	_ = 	snop  }
__scs_overlays_trampoline_lowered:
0x8: {  	[smem:$0x3FAD] =	sst s0  }
0x9: {  	[smem:$0x3FAE] =	sst s1  }
0xa: {  	[smem:$0x3FAF] =	sst s2  }
0xb: {  	[smem:$0x3FB0] =	sst s3  }
0xc: {  	[smem:$0x3FB1] =	sst s4  }
0xd: {  	[smem:$0x3FB2] =	sst s5  }
0xe: {  	[smem:$0x3FB3] =	sst s6  }
0xf: {  	[smem:$0x3FB4] =	sst s7  }
0x10: {  	[smem:$0x3FB5] =	sst s8  }
0x11: {  	[smem:$0x3FB6] =	sst s9;
	s0 =	simm.s32 @!p0 $0x0  }
0x12: {  	s1 =	sld [smem:$0x3F9C];
	s0 =	simm.s32 @p0 $0x1  }
0x13: {  	[smem:$0x3FB7] =	sst s0;
	s0 =	simm.s32 @!p1 $0x0  }
0x14: {  	s2 =	sld [smem:$0x3F9B];
	s0 =	simm.s32 @p1 $0x1  }
0x15: {  	[smem:$0x3FB8] =	sst s0;
	s0 =	simm.s32 @!p2 $0x0  }
0x16: {  	s3 =	sld [smem:$0x3FDB];
	s0 =	simm.s32 @p2 $0x1  }
0x17: {  	s4 =	simm.s32 $0x1BF5;
	[smem:$0x3FBA] =	sst s0  }
0x18: {  	s0 =	sld [smem:$0x3F9D];
	_ =	swait.ge [sflag:s4], $0x0  }
0x19: {  	s7 =	sld [smem:$0x3F9E]  }
0x1a: {  	s8 =	sadd.s32 $0xFFFFE003, lr  }
0x1b: {  	s9 =	sadd.s32 $0xFFFFFEF7, lr;
	s5 =	simm.s32 $0xFFFFFFFF;
	p2 =	slt.u32 s8, $0xFFFFF086  }
0x1c: {  	p1 =	slt.u32 s9, $0xF7A;
	s5 =	simm.s32 @!p2 $0x0  }
0x1d: {  	s5 =	simm.s32 @p1 $0x1;
	p0 =	seq.s32 s7, s2  }
0x1e: {  	s7 =	smul.u32 @!p0 $0xF7A, s2;
	p2 =	seq.s32 @!p0 s5, $0x0  }
0x1f: {  	s9 =	smul.u32 $0xF7A, s1;
	s8 =	simm.s32 @!p0 $0x1BF5;
	p2 =	por !p2, p0  }
0x20: {  	[sflag:s8] =	ssyncset.s32 @!p0 $0xFFFFF086;
	s6 =	sadd.s32 @!p0 s3, s7;
	s7 =	simm.s32 @!p0 $0x108  }
0x21: {  	s3 =	sadd.s32 s3, s9;
	s6 =	sadd.s32 @!p0 $0x88, s6;
	s7 =	simm.s32 @p2 $0x1082  }
0x22: {  	[simem:s7], [sflag:s8] =	dma.local @!p0 [hbm:s6], $0xF7A  }
0x23: {  	s9 =	sor.u32 $0xD0000000, s2;
	s6 =	simm.s32 $0x108;
	_ =	swait.ge @!p0 [sflag:s8], $0x0  }
0x24: {  	s3 =	sadd.s32 $0x88, s3;
	s6 =	simm.s32 @!p1 $0x1082;
	[sflag:s4] =	ssyncset.s32 $0xFFFFF086  }
0x25: {  	[simem:s6], [sflag:s4] =	dma.local [hbm:s3], $0xF7A  }
0x26: {  	[smem:$0x3F9E] =	sst s1;
	(tag) =	ssettag s2;
	_ =	strace s9  }
0x27: {  	s1 =	sld [smem:$0x3FAE]  }
0x28: {  	s2 =	sld [smem:$0x3FAF]  }
0x29: {  	s4 =	sld [smem:$0x3FB1]  }
0x2a: {  	p0 =	seq.s32 s5, $0x0;
	s5 =	sld [smem:$0x3FB2]  }
0x2b: {  	s6 =	sld [smem:$0x3FB3]  }
0x2c: {  	s7 =	sld [smem:$0x3FB4]  }
0x2d: {  	s3 =	simm.s32 $0x108;
	s8 =	sld [smem:$0x3FB5]  }
0x2e: {  	s3 =	simm.s32 @!p0 $0x1082;
	s9 =	sld [smem:$0x3FB6]  }
0x2f: {  	lr =	sadd.s32 s0, s3;
	s0 =	sld [smem:$0x3FAD]  }
0x30: {  	s3 =	sld [smem:$0x3FB0]  }
0x31: {  	[smem:$0x3FB9] =	sst s10  }
0x32: {  	s10 =	sld [smem:$0x3FB7];
	_ =	sdelay $0x3  }
0x33: {  	p0 =	seq.s32 s10, $0x1;
	s10 =	sld [smem:$0x3FB9];
	_ =	sdelay $0x3  }
0x34: {  	[smem:$0x3FB9] =	sst s10  }
0x35: {  	s10 =	sld [smem:$0x3FB8];
	_ =	sdelay $0x3  }
0x36: {  	p1 =	seq.s32 s10, $0x1;
	s10 =	sld [smem:$0x3FB9];
	_ =	sdelay $0x3  }
0x37: {  	[smem:$0x3FB9] =	sst s10  }
0x38: {  	s10 =	sld [smem:$0x3FBA]  }
0x39: {  	_ = 	snop;
	(pc) =	sbr.ind lr, $3  }
0x3a: {  	_ = 	snop  }
0x3b: {  	_ = 	snop  }
0x3c: {  	p2 =	seq.s32 s10, $0x1;
	s10 =	sld [smem:$0x3FB9]  }
0x3d: {  	_ =	shalt  }
0x3e: {  	_ =	shalt  }
0x3f: {  	_ =	shalt  }
0x40: {  	_ =	shalt  }
0x41: {  	_ =	shalt  }
0x42: {  	_ =	shalt  }
0x43: {  	_ =	shalt  }
0x44: {  	_ =	shalt  }
0x45: {  	_ =	shalt  }
0x46: {  	_ =	shalt  }
0x47: {  	_ =	shalt  }
0x48: {  	_ =	shalt  }
0x49: {  	_ =	shalt  }
0x4a: {  	_ =	shalt  }
0x4b: {  	_ =	shalt  }
0x4c: {  	_ =	shalt  }
0x4d: {  	_ =	shalt  }
0x4e: {  	_ =	shalt  }
0x4f: {  	_ =	shalt  }
0x50: {  	_ =	shalt  }
0x51: {  	_ =	shalt  }
0x52: {  	_ =	shalt  }
0x53: {  	_ =	shalt  }
0x54: {  	_ =	shalt  }
0x55: {  	_ =	shalt  }
0x56: {  	_ =	shalt  }
0x57: {  	_ =	shalt  }
0x58: {  	_ =	shalt  }
0x59: {  	_ =	shalt  }
0x5a: {  	_ =	shalt  }
0x5b: {  	_ =	shalt  }
0x5c: {  	_ =	shalt  }
0x5d: {  	_ =	shalt  }
0x5e: {  	_ =	shalt  }
0x5f: {  	_ =	shalt  }
0x60: {  	_ =	shalt  }
0x61: {  	_ =	shalt  }
0x62: {  	_ =	shalt  }
0x63: {  	_ =	shalt  }
0x64: {  	_ =	shalt  }
0x65: {  	_ =	shalt  }
0x66: {  	_ =	shalt  }
0x67: {  	_ =	shalt  }
0x68: {  	_ =	shalt  }
0x69: {  	_ =	shalt  }
0x6a: {  	_ =	shalt  }
0x6b: {  	_ =	shalt  }
0x6c: {  	_ =	shalt  }
0x6d: {  	_ =	shalt  }
0x6e: {  	_ =	shalt  }
0x6f: {  	_ =	shalt  }
0x70: {  	_ =	shalt  }
0x71: {  	_ =	shalt  }
0x72: {  	_ =	shalt  }
0x73: {  	_ =	shalt  }
0x74: {  	_ =	shalt  }
0x75: {  	_ =	shalt  }
0x76: {  	_ =	shalt  }
0x77: {  	_ =	shalt  }
0x78: {  	_ =	shalt  }
0x79: {  	_ =	shalt  }
0x7a: {  	_ =	shalt  }
0x7b: {  	_ =	shalt  }
0x7c: {  	_ =	shalt  }
0x7d: {  	_ =	shalt  }
0x7e: {  	_ =	shalt  }
0x7f: {  	_ =	shalt  }
0x80: {  	_ =	shalt  }
0x81: {  	_ =	shalt  }
0x82: {  	_ =	shalt  }
0x83: {  	_ =	shalt  }
0x84: {  	_ =	shalt  }
0x85: {  	_ =	shalt  }
0x86: {  	_ =	shalt  }
0x87: {  	_ =	shalt  }
.Lfunc_end0:
.L_simem_size_0:
called_computation_lowered:
.L_overlay_start_0:
0x88: {  	s0 =	sld [smem:$0x3FD9]  }
0x89: {  	s1 =	sld [smem:$0x3FFE];
	_ =	sdelay $0x3  }
0x8a: {  	s0 =	sadd.s32 s1, s0  }
0x8b: {  	[smem:$0x3FC5] =	sst s0  }
0x8c: {  	_ = 	snop  }
0x8d: {  	s0 =	sld [smem:$0x3FD0];
	_ =	sdelay $0x2  }
0x8e: {  	s2 =	simm.s32 $0xA;
	s3 =	simm.s32 $0x10;
	s14 =	sld [smem:$0x3FC7]  }
0x8f: {  	[smem:s3], [sflag:s2] =	dma.local [hbm:s0], $0x1  }
0x90: {  	_ =	swait.eq [sflag:s2], $0x1  }
0x91: {  	[sflag:s2] =	ssyncset.done $0x0  }
0x92: {  	[sflag:s2] =	ssyncadd.s32 $0xFFFFFFFF  }
0x93: {  	s15 =	sld [smem:$0x11];
	(tm) =	ssettm $0x1  }
0x94: {  	s16 =	sld [smem:$0x3FFB];
	_ =	sdelay $0x3  }
0x95: {  	_ =	strace s16  }
0x96: {  	s2 =	sld [smem:$0x3FFC];
	_ =	sdelay $0x3  }
0x97: {  	_ =	strace s2  }
0x98: {  	s2 =	sld [smem:$0x3FFD];
	_ =	sdelay $0x3  }
0x99: {  	_ =	strace s2  }
0x9a: {  	_ =	strace $0x8FFFFFFF  }
0x9b: {  	s17 =	sld [smem:$0x3FDB];
	_ =	sdelay $0x1  }
0x9c: {  	s18 =	simm.s32 $_scs_section_size  }
0x9d: {  	s4 =	simm.s32 $_size__tile_overlayer_lowered;
	s5 =	simm.s32 $_tile_overlayer_lowered  }
0x9e: {  	s21 =	simm.s32 $0x1BFF;
	s20 =	sshll.u32 s5, $0x1;
	s2 =	sadd.s32 s18, s17  }
0x9f: {  	s6 =	simm.s32 $0x0;
	s19 =	sshll.u32 s4, $0x1;
	s4 =	sadd.s32 s20, s2  }
0xa0: {  	[timem:s6], [sflag:s21] =	dma.local [hbm:s4], s19  }
0xa1: {  	_ =	swait.ge [sflag:s21], s19  }
0xa2: {  	s3 =	ssub.s32 $0x0, s19;
	[sflag:s21] =	ssyncset.done $0x0  }
0xa3: {  	[sflag:s21] =	ssyncadd.s32 s3;
	_ =	sdelay $0x1  }
0xa4: {  	s22 =	simm.s32 $0x1B8B  }
0xa5: {  	_ =	swait.ge [sflag:s22], $0x1  }
0xa6: {  	[sflag:s22] =	ssyncset.done $0x0  }
0xa7: {  	s23 =	simm.s32 $0x1B8E;
	[sflag:s22] =	ssyncadd.s32 $0xFFFFFFFF  }
0xa8: {  	s24 =	simm.s32 $execute0_lowered;
	[smem:$0x3FD2] =	sst s23  }
0xa9: {  	s3 =	sshll.u32 s24, $0x1;
	_ =	strace $0x80000046;
	[dreg:$0x1] =	wrdreg $0xFFFFFFFF  }
0xaa: {  	s25 =	simm.s32 $_size_execute0_lowered;
	s2 =	sadd.s32 s2, s3;
	[dreg:$0x0] =	wrdreg $0x0  }
0xab: {  	s3 =	sshll.u32 s25, $0x1;
	[dreg:$0x2] =	wrdreg s2  }
0xac: {  	[dreg:$0x3] =	wrdreg s3  }
0xad: {  	[dreg:$0x4] =	wrdreg $0xC0  }
0xae: {  	_ =	task [dreg:s6], $0x5FFFF  }
0xaf: {  	[dreg:$0x1] =	wrdreg $0xFFFFFFFF  }
0xb0: {  	[dreg:$0x0] =	wrdreg $0x60  }
0xb1: {  	[dreg:$0x2] =	wrdreg s14  }
0xb2: {  	[dreg:$0x3] =	wrdreg s15  }
0xb3: {  	[dreg:$0x4] =	wrdreg $0x9  }
0xb4: {  	_ =	task.clear_ibuf [dreg:s6], $0x5FFFF;
	_ =	strace $0x90000046  }
0xb5: {  	s26 =	simm.s32 $0x9;
	_ =	strace $0x80000048  }
0xb6: {  	_ =	swait.ge [sflag:s26], $0x1  }
0xb7: {  	[sflag:s26] =	ssyncadd.s32 $0xFFFFFFFF  }
0xb8: {  	_ =	strace $0x90000048  }
0xb9: {  	_ =	sfence  }
0xba: {  	s28 =	sld [smem:$0x0];
	_ =	sdelay $0x1  }
0xbb: {  	s29 =	srdreg.scid  }
0xbc: {  	s30 =	sshll.u32 s29, $0xD;
	s31 =	sshrl.u32 s29, $0x2  }
0xbd: {  	s1 =	sand.u32 $0x1, s29;
	s2 =	sand.u32 $0x4000, s30;
	s0 =	sadd.s32 s31, s28  }
0xbe: {  	s1 =	sor.u32 s2, s1;
	s0 =	sshll.u32 s0, $0x11  }
0xbf: {  	s0 =	sor.u32 s0, s1  }
0xc0: {  	s0 =	sadd.s32 $0x8F2B, s0  }
0xc1: {  	[sflag:s0] =	ssyncadd.remote.s32 $0x1  }
0xc2: {  	_ =	sfence.sel $0xFFFF  }
0xc3: {  	[dreg:$0x0] =	wrdreg $0xFFFFFFFF;
	(pc) =	sbr.abs _section_cstart, $3  }
0xc4: {  	[dreg:$0x1] =	wrdreg $0xFFFFFFFF  }
0xc5: {  	_ =	task.clear_ibuf [dreg:s6], $0x2FFFF;
	_ =	strace $0x9FFFFFFF  }
0xc6: {  	(tm) =	ssettm $0x7FFFFFFF  }
0xc7: {  	_ =	shalt  }
tec
execute0_lowered:
.L_overlay_start_1:
0x0: {  	(tag) =	ssettag $0x1  }
0x1: {  	s3 =	rddreg [dreg:$0x0]  }
0x2: {  	s1 =	rddreg [dreg:$0x1];
	s2 =	simm.s32 $0x0  }
0x3: {  	[smem:$0x7FF] =	sst s2  }
0x4: {  	s0 =	rddreg [dreg:$0x2];
	s31 =	simm.s32 $0x1;
	_ =	strace $0x80000047  }
0x5: {  	[tilespmem:s2], [sflag:$0x1] =	stream.linear.gather [hbm4b:s3+s2], $0x1000, $0x38;
	[tilespmem:$0x1400] =	vst v63  }
0x6: {  	_ =	swait.ge [sflag:s31], $0x1000  }
0x7: {  	[sflag:s31] =	ssyncset.done $0x0  }
0x8: {  	v0 =	vimm.f32 $1.000000000e+00;
	[sflag:s31] =	ssyncadd.s32 $0xFFFFF000  }
0x9: {  	[tilespmem:$0x1000] =	vst v0  }
0xa: {  	[tilespmem:$0x1010] =	vst v0  }
0xb: {  	[tilespmem:$0x1020] =	vst v0  }
0xc: {  	[tilespmem:$0x1030] =	vst v0  }
0xd: {  	[tilespmem:$0x1040] =	vst v0  }
0xe: {  	[tilespmem:$0x1050] =	vst v0  }
0xf: {  	[tilespmem:$0x1060] =	vst v0  }
0x10: {  	[tilespmem:$0x1070] =	vst v0  }
0x11: {  	[tilespmem:$0x1080] =	vst v0  }
0x12: {  	[tilespmem:$0x1090] =	vst v0  }
0x13: {  	[tilespmem:$0x10A0] =	vst v0  }
0x14: {  	[tilespmem:$0x10B0] =	vst v0  }
0x15: {  	[tilespmem:$0x10C0] =	vst v0  }
0x16: {  	[tilespmem:$0x10D0] =	vst v0  }
0x17: {  	[tilespmem:$0x10E0] =	vst v0  }
0x18: {  	[tilespmem:$0x10F0] =	vst v0  }
0x19: {  	[tilespmem:$0x1100] =	vst v0  }
0x1a: {  	[tilespmem:$0x1110] =	vst v0  }
0x1b: {  	[tilespmem:$0x1120] =	vst v0  }
0x1c: {  	[tilespmem:$0x1130] =	vst v0  }
0x1d: {  	[tilespmem:$0x1140] =	vst v0  }
0x1e: {  	[tilespmem:$0x1150] =	vst v0  }
0x1f: {  	[tilespmem:$0x1160] =	vst v0  }
0x20: {  	[tilespmem:$0x1170] =	vst v0  }
0x21: {  	[tilespmem:$0x1180] =	vst v0  }
0x22: {  	[tilespmem:$0x1190] =	vst v0  }
0x23: {  	[tilespmem:$0x11A0] =	vst v0  }
0x24: {  	[tilespmem:$0x11B0] =	vst v0  }
0x25: {  	[tilespmem:$0x11C0] =	vst v0  }
0x26: {  	[tilespmem:$0x11D0] =	vst v0  }
0x27: {  	[tilespmem:$0x11E0] =	vst v0  }
0x28: {  	[tilespmem:$0x11F0] =	vst v0  }
0x29: {  	[tilespmem:$0x1200] =	vst v0  }
0x2a: {  	[tilespmem:$0x1210] =	vst v0  }
0x2b: {  	[tilespmem:$0x1220] =	vst v0  }
0x2c: {  	[tilespmem:$0x1230] =	vst v0  }
0x2d: {  	[tilespmem:$0x1240] =	vst v0  }
0x2e: {  	[tilespmem:$0x1250] =	vst v0  }
0x2f: {  	[tilespmem:$0x1260] =	vst v0  }
0x30: {  	[tilespmem:$0x1270] =	vst v0  }
0x31: {  	[tilespmem:$0x1280] =	vst v0  }
0x32: {  	[tilespmem:$0x1290] =	vst v0  }
0x33: {  	[tilespmem:$0x12A0] =	vst v0  }
0x34: {  	[tilespmem:$0x12B0] =	vst v0  }
0x35: {  	[tilespmem:$0x12C0] =	vst v0  }
0x36: {  	[tilespmem:$0x12D0] =	vst v0  }
0x37: {  	[tilespmem:$0x12E0] =	vst v0  }
0x38: {  	[tilespmem:$0x12F0] =	vst v0  }
0x39: {  	[tilespmem:$0x1300] =	vst v0  }
0x3a: {  	[tilespmem:$0x1310] =	vst v0  }
0x3b: {  	[tilespmem:$0x1320] =	vst v0  }
0x3c: {  	[tilespmem:$0x1330] =	vst v0  }
0x3d: {  	[tilespmem:$0x1340] =	vst v0  }
0x3e: {  	[tilespmem:$0x1350] =	vst v0  }
0x3f: {  	[tilespmem:$0x1360] =	vst v0  }
0x40: {  	[tilespmem:$0x1370] =	vst v0  }
0x41: {  	[tilespmem:$0x1380] =	vst v0  }
0x42: {  	[tilespmem:$0x1390] =	vst v0  }
0x43: {  	[tilespmem:$0x13A0] =	vst v0  }
0x44: {  	[tilespmem:$0x13B0] =	vst v0  }
0x45: {  	[tilespmem:$0x13C0] =	vst v0  }
0x46: {  	s3 =	stileid.u32;
	[tilespmem:$0x13D0] =	vst v0  }
0x47: {  	s4 =	sshll.u32 s3, $0xA;
	[tilespmem:$0x13E0] =	vst v0  }
0x48: {  	v1 =	vimm.f32 $0.0e+00;
	[tilespmem:$0x13F0] =	vst v0;
	v0 =	vmov s4;
	s4 =	simm.s32 $0x1000  }
.LBB2_1:
0x49: {  	s5 =	sshra.s32 s2, $0x2  }
0x4a: {  	v2 =	vld [tilespmem:s5+$0x0];
	_ =	sdelay $0x4  }
0x4b: {  	v2 =	vsub.s32 v2, v0  }
0x4c: {  	vm0 =	vgt.s32 v2, $0x0  }
0x4d: {  	vm1 =	vlt.u32 v2, $0x400;
	v2 =	vnsel vm0, $0x0, v2  }
0x4e: {  	v2 =	vmin.u32 v2, $0x3FF;
	_ =	sdelay $0x4  }
0x4f: {  	[tilespmem:v2+s4+$0x0] =	vst.idx.msk vm1, v1  }
0x50: {  	v2 =	vld [tilespmem:s5+$0x10];
	_ =	sdelay $0x4  }
0x51: {  	v2 =	vsub.s32 v2, v0  }
0x52: {  	vm10 =	vgt.s32 v2, $0x0  }
0x53: {  	vm11 =	vlt.u32 v2, $0x400;
	v2 =	vnsel vm10, $0x0, v2  }
0x54: {  	v2 =	vmin.u32 v2, $0x3FF;
	_ =	sdelay $0x4  }
0x55: {  	[tilespmem:v2+s4+$0x0] =	vst.idx.msk vm11, v1  }
0x56: {  	v2 =	vld [tilespmem:s5+$0x20];
	_ =	sdelay $0x4  }
0x57: {  	v2 =	vsub.s32 v2, v0  }
0x58: {  	vm12 =	vgt.s32 v2, $0x0  }
0x59: {  	vm13 =	vlt.u32 v2, $0x400;
	v2 =	vnsel vm12, $0x0, v2  }
0x5a: {  	v2 =	vmin.u32 v2, $0x3FF;
	_ =	sdelay $0x4  }
0x5b: {  	[tilespmem:v2+s4+$0x0] =	vst.idx.msk vm13, v1  }
0x5c: {  	v2 =	vld [tilespmem:s5+$0x30];
	_ =	sdelay $0x4  }
0x5d: {  	v2 =	vsub.s32 v2, v0  }
0x5e: {  	vm14 =	vgt.s32 v2, $0x0  }
0x5f: {  	vm15 =	vlt.u32 v2, $0x400;
	v2 =	vnsel vm14, $0x0, v2  }
0x60: {  	p0 =	sne.s32 s2, $0x3F00;
	v2 =	vmin.u32 v2, $0x3FF  }
.Ltmp0:
0x61: {  	_ = 	snop;
	(pc) =	sbr.rel @p0 .LBB2_1-.Ltmp0, $2  }
0x62: {  	_ =	sdelay $0x2  }
0x63: {  	s2 =	sadd.s32 $0x100, s2;
	[tilespmem:v2+s4+$0x0] =	vst.idx.msk vm15, v1  }
0x64: {  	s2 =	sshll.u32 s3, $0x7;
	s30 =	simm.s32 $0x0  }
0x65: {  	s4 =	simm.s32 $0x1000;
	s31 =	simm.s32 $0x1;
	s1 =	sadd.s32 s1, s2  }
0x66: {  	[hbm4b:s1+s30] =	stream.linear.scatter [tilespmem:s4], [sflag:$0x1], $0x400, $0x38;
	[tilespmem:$0x1400] =	vst v63  }
0x67: {  	_ =	swait.ge [sflag:s31], $0x400  }
0x68: {  	[sflag:s31] =	ssyncset.done $0x0  }
0x69: {  	[sflag:s31] =	ssyncadd.s32 $0xFFFFFC00  }
0x6a: {  	_ =	sfence.sel $0x180000  }
0x6b: {  	[bflag:$0x0] =	sbarrier.arrive $0xFFFF  }
0x6c: {  	p0 =	sne.s32 s3, $0x0;
	_ =	strace $0x90000047  }
0x6d: {  	s0 =	sadd.s32 @!p0 $0x100000, s0;
	[bflag:$0x2] =	sbarrier.arrive $0xFFFF  }
0x6e: {  	[sflag:s0] =	ssyncadd.tile.s32 @!p0 $0x1;
	_ =	shalt  }
.Lfunc_end2:
_tile_overlayer_lowered:
.L_overlay_start_2:
0x6f: {  	(tag) =	ssettag $0x2  }
0x70: {  	s0 =	rddreg [dreg:$0x0];
	s2 =	stileid.u32  }
0x71: {  	s1 =	rddreg [dreg:$0x1];
	p0 =	sne.s32 s2, $0x0  }
0x72: {  	s3 =	rddreg [dreg:$0x2];
	[bflag:$0x3] =	sbarrier.arrive $0xFFFF;
	s2 =	simm.s32 @!p0 $0x1C01  }
0x73: {  	[timem:s3], [sflag:s2] =	dma.local @!p0 [hbm:s0], s1  }
0x74: {  	s0 =	simm.s32 @!p0 $0x1  }
0x75: {  	_ =	swait.ge @!p0 [sflag:s0], s1  }
0x76: {  	s1 =	ssub.s32 @!p0 $0x0, s1;
	[sflag:s0] =	ssyncset.done @!p0 $0x0  }
0x77: {  	[sflag:s0] =	ssyncadd.s32 @!p0 s1  }
0x78: {  	[bflag:$0x3] =	sbarrier.arrive $0xFFFF  }
0x79: {  	_ =	shalt  }

</sc_bundles>
